<compile_context>
chip_gen: v7x
topology: tpu7x:2x2x1
jax: 0.10.2.dev20260603
libtpu: 0.0.44.dev20260713+nightly
codegen_flags: <defaults>
</compile_context>

<pallas_src>
import jax
import jax.numpy as jnp
from jax import lax
from jax.experimental import pallas as pl
from jax.experimental.pallas import tpu as pltpu
from jax.experimental.pallas import tpu_sc as plsc
from jax._src.pallas import mpmd

S = 64
K = 256
L = 16

_SMESH = plsc.ScalarSubcoreMesh(axis_name="c", num_cores=1)
_VMESH = plsc.VectorSubcoreMesh(
    core_axis_name="c", subcore_axis_name="s", num_cores=1, num_subcores=1)


def _scs_fn(x_hbm, idx_hbm, vals_hbm, out_hbm,
            x_sp, idx_sp, vals_sp, scs_sem, rdy):
    cp_x = pltpu.make_async_copy(x_hbm, x_sp, scs_sem)
    cp_i = pltpu.make_async_copy(idx_hbm, idx_sp, scs_sem)
    cp_v = pltpu.make_async_copy(vals_hbm, vals_sp, scs_sem)
    cp_x.start()
    cp_i.start()
    cp_v.start()
    cp_x.wait()
    cp_i.wait()
    cp_v.wait()
    pl.semaphore_signal(
        rdy, 1, device_id={"c": 0, "s": 0},
        device_id_type=pl.DeviceIdType.MESH)


def _tec_fn(x_hbm, idx_hbm, vals_hbm, out_hbm,
            x_sp, idx_sp, vals_sp, scs_sem, rdy):
    def scoped(x_v, idx_v, vals_v, acc_a, acc_b, acc_c, acc_d, tec_sem):
        accs = (acc_a, acc_b, acc_c, acc_d)
        zero = jnp.zeros((L,), jnp.float32)
        for j in range(S // L):
            for acc in accs:
                acc[pl.ds(j * L, L)] = zero

        pl.semaphore_wait(rdy, 1)

        cp_x = pltpu.make_async_copy(x_sp, x_v, tec_sem)
        cp_i = pltpu.make_async_copy(idx_sp, idx_v, tec_sem)
        cp_v = pltpu.make_async_copy(vals_sp, vals_v, tec_sem)
        cp_x.start()
        cp_i.start()
        cp_v.start()
        cp_x.wait()
        cp_i.wait()
        cp_v.wait()

        rs = []
        gs = []
        for i in range(K // L):
            r = idx_v[0, pl.ds(i * L, L)]
            c = idx_v[1, pl.ds(i * L, L)]
            v = vals_v[pl.ds(i * L, L)]
            rs.append(r)
            gs.append(plsc.load_gather(x_v, [c]) * v)

        for i in range(K // L):
            plsc.addupdate_scatter(accs[i % 4], [rs[i]], gs[i])

        for j in range(S // L):
            sl = pl.ds(j * L, L)
            acc_a[sl] = (acc_a[sl] + acc_b[sl]) + (acc_c[sl] + acc_d[sl])

        pltpu.sync_copy(acc_a, out_hbm)

    pl.run_scoped(
        scoped,
        pltpu.VMEM((S,), jnp.float32),
        pltpu.VMEM((2, K), jnp.int32),
        pltpu.VMEM((K,), jnp.float32),
        pltpu.VMEM((S,), jnp.float32),
        pltpu.VMEM((S,), jnp.float32),
        pltpu.VMEM((S,), jnp.float32),
        pltpu.VMEM((S,), jnp.float32),
        pltpu.SemaphoreType.DMA,
    )


@jax.jit
def _spmv(x, idx, vals):
    return mpmd.mpmd_map(
        [(_SMESH, _scs_fn), (_VMESH, _tec_fn)],
        out_types=[jax.ShapeDtypeStruct((S,), jnp.float32)],
        scratch_types=[
            pltpu.VMEM_SHARED((S,), jnp.float32),
            pltpu.VMEM_SHARED((2, K), jnp.int32),
            pltpu.VMEM_SHARED((K,), jnp.float32),
            pltpu.SemaphoreType.DMA @ _SMESH,
            pltpu.SemaphoreType.REGULAR @ _VMESH,
        ],
        compiler_params=pltpu.CompilerParams(needs_layout_passes=False),
    )(x, idx, vals)[0]


def kernel(x, indices, values):
    return _spmv(x, indices.astype(jnp.int32), values)

# --- scband reference (transcript-rebuilt; emitter-appended) ---
"""Pipeline reference for scband-sparse-layer-7584912245345 (READ-ONLY COPY).

The authoritative reference and input builder live on the scoring server;
editing this copy changes nothing except your own understanding.
"""

import jax, jax.numpy as jnp
import numpy as np

S = 64
K = 256

def setup_inputs(seed: int = 0):
    key = jax.random.key(seed)
    k1, k2, k3 = jax.random.split(key, 3)
    x = jax.random.normal(k1, (S,), dtype=jnp.float32)
    # module builds indices as (rand(2,K)*S).long() -> uniform ints in [0, S)
    indices = jax.random.randint(k2, (2, K), 0, S)
    values = jax.random.uniform(k3, (K,), dtype=jnp.float32)
    return {"x": x, "indices": indices, "values": values}

def reference(x, indices, values):
    # torch.sparse.FloatTensor(indices, values, (S,S)) coalesces duplicate
    # coordinates by summation; spmv == scatter-add of values[k]*x[col_k] into row_k.
    rows = indices[0]
    cols = indices[1]
    out = jnp.zeros((S,), dtype=x.dtype).at[rows].add(values * x[cols])
    return out

if __name__ == "__main__":
    import jax
    _d = setup_inputs()
    print(jax.jit(kernel)(*tuple(_d.values())))

</pallas_src>

<mosaic_0001>
#map = affine_map<(d0) -> (0)>
#map1 = affine_map<(d0) -> (0, 0)>
#map2 = affine_map<(d0, d1) -> (0)>
#map3 = affine_map<(d0, d1) -> (0, 0)>
module attributes {stable_mosaic.version = 14 : i64} {
  func.func @_scs_fn(%arg0: i32, %arg1: memref<64xf32, #tpu.memory_space<hbm>>, %arg2: memref<2x256xi32, #tpu.memory_space<hbm>>, %arg3: memref<256xf32, #tpu.memory_space<hbm>>, %arg4: memref<64xf32, #tpu.memory_space<hbm>>, %arg5: memref<64xf32, #tpu.memory_space<vmem_shared>>, %arg6: memref<2x256xi32, #tpu.memory_space<vmem_shared>>, %arg7: memref<256xf32, #tpu.memory_space<vmem_shared>>, %arg8: memref<!tpu.dma_semaphore, #tpu.memory_space<semaphore_mem>>, %arg9: memref<!tpu.semaphore, #tpu.memory_space<semaphore_mem, sc_vector_subcore>>) attributes {dimension_semantics = [#tpu.dimension_semantics<core_parallel>], iteration_bounds = array<i64: 1>, scalar_prefetch = 0 : i64, scratch_operands = 5 : i64, tpu.core_type = #tpu.core_type<sc_scalar_subcore>, window_params = [{transform_indices = #map}, {transform_indices = #map1}, {transform_indices = #map}, {transform_indices = #map}]} {
    tpu.enqueue_dma source(%arg1 : memref<64xf32, #tpu.memory_space<hbm>>) target(%arg5 : memref<64xf32, #tpu.memory_space<vmem_shared>>) target_semaphore(%arg8 : memref<!tpu.dma_semaphore, #tpu.memory_space<semaphore_mem>>)
    tpu.enqueue_dma source(%arg2 : memref<2x256xi32, #tpu.memory_space<hbm>>) target(%arg6 : memref<2x256xi32, #tpu.memory_space<vmem_shared>>) target_semaphore(%arg8 : memref<!tpu.dma_semaphore, #tpu.memory_space<semaphore_mem>>)
    tpu.enqueue_dma source(%arg3 : memref<256xf32, #tpu.memory_space<hbm>>) target(%arg7 : memref<256xf32, #tpu.memory_space<vmem_shared>>) target_semaphore(%arg8 : memref<!tpu.dma_semaphore, #tpu.memory_space<semaphore_mem>>)
    tpu.wait_dma2 semaphore(%arg8 : memref<!tpu.dma_semaphore, #tpu.memory_space<semaphore_mem>>) src(%arg1 : memref<64xf32, #tpu.memory_space<hbm>>) dst(%arg5 : memref<64xf32, #tpu.memory_space<vmem_shared>>)
    tpu.wait_dma2 semaphore(%arg8 : memref<!tpu.dma_semaphore, #tpu.memory_space<semaphore_mem>>) src(%arg2 : memref<2x256xi32, #tpu.memory_space<hbm>>) dst(%arg6 : memref<2x256xi32, #tpu.memory_space<vmem_shared>>)
    tpu.wait_dma2 semaphore(%arg8 : memref<!tpu.dma_semaphore, #tpu.memory_space<semaphore_mem>>) src(%arg3 : memref<256xf32, #tpu.memory_space<hbm>>) dst(%arg7 : memref<256xf32, #tpu.memory_space<vmem_shared>>)
    %semaphore_signal3A = arith.constant 1 : i32
    %semaphore_signal3A_0 = arith.constant 0 : i32
    %semaphore_signal3A_1 = arith.constant 0 : i32
    tpu.sem_signal %arg9, %semaphore_signal3A core_id %semaphore_signal3A_0 subcore_id %semaphore_signal3A_1 : memref<!tpu.semaphore, #tpu.memory_space<semaphore_mem, sc_vector_subcore>>
    return
  }
  func.func @_tec_fn(%arg0: i32, %arg1: i32, %arg2: memref<64xf32, #tpu.memory_space<hbm>>, %arg3: memref<2x256xi32, #tpu.memory_space<hbm>>, %arg4: memref<256xf32, #tpu.memory_space<hbm>>, %arg5: memref<64xf32, #tpu.memory_space<hbm>>, %arg6: memref<64xf32, #tpu.memory_space<vmem_shared>>, %arg7: memref<2x256xi32, #tpu.memory_space<vmem_shared>>, %arg8: memref<256xf32, #tpu.memory_space<vmem_shared>>, %arg9: memref<!tpu.dma_semaphore, #tpu.memory_space<semaphore_mem, sc_scalar_subcore>>, %arg10: memref<!tpu.semaphore, #tpu.memory_space<semaphore_mem>>) attributes {dimension_semantics = [#tpu.dimension_semantics<core_parallel>, #tpu.dimension_semantics<subcore_parallel>], iteration_bounds = array<i64: 1, 1>, scalar_prefetch = 0 : i64, scratch_operands = 5 : i64, tpu.core_type = #tpu.core_type<sc_vector_subcore>, window_params = [{transform_indices = #map2}, {transform_indices = #map3}, {transform_indices = #map2}, {transform_indices = #map2}]} {
    "tpu.region"() ({
      %run_scoped3A = memref.alloca() : memref<64xf32, #tpu.memory_space<vmem>>
      %run_scoped3A_0 = memref.alloca() : memref<2x256xi32, #tpu.memory_space<vmem>>
      %run_scoped3A_1 = memref.alloca() : memref<256xf32, #tpu.memory_space<vmem>>
      %run_scoped3A_2 = memref.alloca() : memref<64xf32, #tpu.memory_space<vmem>>
      %run_scoped3A_3 = memref.alloca() : memref<64xf32, #tpu.memory_space<vmem>>
      %run_scoped3A_4 = memref.alloca() : memref<64xf32, #tpu.memory_space<vmem>>
      %run_scoped3A_5 = memref.alloca() : memref<64xf32, #tpu.memory_space<vmem>>
      %run_scoped3A_6 = tpu.sem_alloc : memref<!tpu.dma_semaphore, #tpu.memory_space<semaphore_mem>>
      %broadcast_in_dim3A = arith.constant 0.000000e+00 : f32
      %broadcast_in_dim3A_7 = vector.broadcast %broadcast_in_dim3A : f32 to vector<16xf32>
      %swap3A = arith.constant 0 : index
      %swap3A_8 = tpu.vector_load %run_scoped3A_2[%swap3A] {strides = array<i32>} : memref<64xf32, #tpu.memory_space<vmem>>, vector<16xf32>,
      tpu.vector_store %run_scoped3A_2[%swap3A], %broadcast_in_dim3A_7 {strides = array<i32>} : memref<64xf32, #tpu.memory_space<vmem>>, vector<16xf32>,
      %swap3A_9 = arith.constant 0 : index
      %swap3A_10 = tpu.vector_load %run_scoped3A_3[%swap3A_9] {strides = array<i32>} : memref<64xf32, #tpu.memory_space<vmem>>, vector<16xf32>,
      tpu.vector_store %run_scoped3A_3[%swap3A_9], %broadcast_in_dim3A_7 {strides = array<i32>} : memref<64xf32, #tpu.memory_space<vmem>>, vector<16xf32>,
      %swap3A_11 = arith.constant 0 : index
      %swap3A_12 = tpu.vector_load %run_scoped3A_4[%swap3A_11] {strides = array<i32>} : memref<64xf32, #tpu.memory_space<vmem>>, vector<16xf32>,
      tpu.vector_store %run_scoped3A_4[%swap3A_11], %broadcast_in_dim3A_7 {strides = array<i32>} : memref<64xf32, #tpu.memory_space<vmem>>, vector<16xf32>,
      %swap3A_13 = arith.constant 0 : index
      %swap3A_14 = tpu.vector_load %run_scoped3A_5[%swap3A_13] {strides = array<i32>} : memref<64xf32, #tpu.memory_space<vmem>>, vector<16xf32>,
      tpu.vector_store %run_scoped3A_5[%swap3A_13], %broadcast_in_dim3A_7 {strides = array<i32>} : memref<64xf32, #tpu.memory_space<vmem>>, vector<16xf32>,
      %swap3A_15 = arith.constant 16 : index
      %swap3A_16 = tpu.vector_load %run_scoped3A_2[%swap3A_15] {strides = array<i32>} : memref<64xf32, #tpu.memory_space<vmem>>, vector<16xf32>,
      tpu.vector_store %run_scoped3A_2[%swap3A_15], %broadcast_in_dim3A_7 {strides = array<i32>} : memref<64xf32, #tpu.memory_space<vmem>>, vector<16xf32>,
      %swap3A_17 = arith.constant 16 : index
      %swap3A_18 = tpu.vector_load %run_scoped3A_3[%swap3A_17] {strides = array<i32>} : memref<64xf32, #tpu.memory_space<vmem>>, vector<16xf32>,
      tpu.vector_store %run_scoped3A_3[%swap3A_17], %broadcast_in_dim3A_7 {strides = array<i32>} : memref<64xf32, #tpu.memory_space<vmem>>, vector<16xf32>,
      %swap3A_19 = arith.constant 16 : index
      %swap3A_20 = tpu.vector_load %run_scoped3A_4[%swap3A_19] {strides = array<i32>} : memref<64xf32, #tpu.memory_space<vmem>>, vector<16xf32>,
      tpu.vector_store %run_scoped3A_4[%swap3A_19], %broadcast_in_dim3A_7 {strides = array<i32>} : memref<64xf32, #tpu.memory_space<vmem>>, vector<16xf32>,
      %swap3A_21 = arith.constant 16 : index
      %swap3A_22 = tpu.vector_load %run_scoped3A_5[%swap3A_21] {strides = array<i32>} : memref<64xf32, #tpu.memory_space<vmem>>, vector<16xf32>,
      tpu.vector_store %run_scoped3A_5[%swap3A_21], %broadcast_in_dim3A_7 {strides = array<i32>} : memref<64xf32, #tpu.memory_space<vmem>>, vector<16xf32>,
      %swap3A_23 = arith.constant 32 : index
      %swap3A_24 = tpu.vector_load %run_scoped3A_2[%swap3A_23] {strides = array<i32>} : memref<64xf32, #tpu.memory_space<vmem>>, vector<16xf32>,
      tpu.vector_store %run_scoped3A_2[%swap3A_23], %broadcast_in_dim3A_7 {strides = array<i32>} : memref<64xf32, #tpu.memory_space<vmem>>, vector<16xf32>,
      %swap3A_25 = arith.constant 32 : index
      %swap3A_26 = tpu.vector_load %run_scoped3A_3[%swap3A_25] {strides = array<i32>} : memref<64xf32, #tpu.memory_space<vmem>>, vector<16xf32>,
      tpu.vector_store %run_scoped3A_3[%swap3A_25], %broadcast_in_dim3A_7 {strides = array<i32>} : memref<64xf32, #tpu.memory_space<vmem>>, vector<16xf32>,
      %swap3A_27 = arith.constant 32 : index
      %swap3A_28 = tpu.vector_load %run_scoped3A_4[%swap3A_27] {strides = array<i32>} : memref<64xf32, #tpu.memory_space<vmem>>, vector<16xf32>,
      tpu.vector_store %run_scoped3A_4[%swap3A_27], %broadcast_in_dim3A_7 {strides = array<i32>} : memref<64xf32, #tpu.memory_space<vmem>>, vector<16xf32>,
      %swap3A_29 = arith.constant 32 : index
      %swap3A_30 = tpu.vector_load %run_scoped3A_5[%swap3A_29] {strides = array<i32>} : memref<64xf32, #tpu.memory_space<vmem>>, vector<16xf32>,
      tpu.vector_store %run_scoped3A_5[%swap3A_29], %broadcast_in_dim3A_7 {strides = array<i32>} : memref<64xf32, #tpu.memory_space<vmem>>, vector<16xf32>,
      %swap3A_31 = arith.constant 48 : index
      %swap3A_32 = tpu.vector_load %run_scoped3A_2[%swap3A_31] {strides = array<i32>} : memref<64xf32, #tpu.memory_space<vmem>>, vector<16xf32>,
      tpu.vector_store %run_scoped3A_2[%swap3A_31], %broadcast_in_dim3A_7 {strides = array<i32>} : memref<64xf32, #tpu.memory_space<vmem>>, vector<16xf32>,
      %swap3A_33 = arith.constant 48 : index
      %swap3A_34 = tpu.vector_load %run_scoped3A_3[%swap3A_33] {strides = array<i32>} : memref<64xf32, #tpu.memory_space<vmem>>, vector<16xf32>,
      tpu.vector_store %run_scoped3A_3[%swap3A_33], %broadcast_in_dim3A_7 {strides = array<i32>} : memref<64xf32, #tpu.memory_space<vmem>>, vector<16xf32>,
      %swap3A_35 = arith.constant 48 : index
      %swap3A_36 = tpu.vector_load %run_scoped3A_4[%swap3A_35] {strides = array<i32>} : memref<64xf32, #tpu.memory_space<vmem>>, vector<16xf32>,
      tpu.vector_store %run_scoped3A_4[%swap3A_35], %broadcast_in_dim3A_7 {strides = array<i32>} : memref<64xf32, #tpu.memory_space<vmem>>, vector<16xf32>,
      %swap3A_37 = arith.constant 48 : index
      %swap3A_38 = tpu.vector_load %run_scoped3A_5[%swap3A_37] {strides = array<i32>} : memref<64xf32, #tpu.memory_space<vmem>>, vector<16xf32>,
      tpu.vector_store %run_scoped3A_5[%swap3A_37], %broadcast_in_dim3A_7 {strides = array<i32>} : memref<64xf32, #tpu.memory_space<vmem>>, vector<16xf32>,
      %semaphore_wait3A = arith.constant 1 : i32
      %semaphore_wait3A_39 = arith.constant true
      tpu.sem_wait %arg10, %semaphore_wait3A : memref<!tpu.semaphore, #tpu.memory_space<semaphore_mem>>
      tpu.enqueue_dma source(%arg6 : memref<64xf32, #tpu.memory_space<vmem_shared>>) target(%run_scoped3A : memref<64xf32, #tpu.memory_space<vmem>>) target_semaphore(%run_scoped3A_6 : memref<!tpu.dma_semaphore, #tpu.memory_space<semaphore_mem>>)
      tpu.enqueue_dma source(%arg7 : memref<2x256xi32, #tpu.memory_space<vmem_shared>>) target(%run_scoped3A_0 : memref<2x256xi32, #tpu.memory_space<vmem>>) target_semaphore(%run_scoped3A_6 : memref<!tpu.dma_semaphore, #tpu.memory_space<semaphore_mem>>)
      tpu.enqueue_dma source(%arg8 : memref<256xf32, #tpu.memory_space<vmem_shared>>) target(%run_scoped3A_1 : memref<256xf32, #tpu.memory_space<vmem>>) target_semaphore(%run_scoped3A_6 : memref<!tpu.dma_semaphore, #tpu.memory_space<semaphore_mem>>)
      tpu.wait_dma2 semaphore(%run_scoped3A_6 : memref<!tpu.dma_semaphore, #tpu.memory_space<semaphore_mem>>) src(%arg6 : memref<64xf32, #tpu.memory_space<vmem_shared>>) dst(%run_scoped3A : memref<64xf32, #tpu.memory_space<vmem>>)
      tpu.wait_dma2 semaphore(%run_scoped3A_6 : memref<!tpu.dma_semaphore, #tpu.memory_space<semaphore_mem>>) src(%arg7 : memref<2x256xi32, #tpu.memory_space<vmem_shared>>) dst(%run_scoped3A_0 : memref<2x256xi32, #tpu.memory_space<vmem>>)
      tpu.wait_dma2 semaphore(%run_scoped3A_6 : memref<!tpu.dma_semaphore, #tpu.memory_space<semaphore_mem>>) src(%arg8 : memref<256xf32, #tpu.memory_space<vmem_shared>>) dst(%run_scoped3A_1 : memref<256xf32, #tpu.memory_space<vmem>>)
      %get3A = arith.constant 0 : i32
      %get3A_40 = arith.index_cast %get3A : i32 to index
      %get3A_41 = arith.constant 0 : index
      %get3A_42 = tpu.vector_load %run_scoped3A_0[%get3A_40, %get3A_41] {strides = array<i32>} : memref<2x256xi32, #tpu.memory_space<vmem>>, vector<16xi32>,
      %get3A_43 = arith.constant 1 : i32
      %get3A_44 = arith.index_cast %get3A_43 : i32 to index
      %get3A_45 = arith.constant 0 : index
      %get3A_46 = tpu.vector_load %run_scoped3A_0[%get3A_44, %get3A_45] {strides = array<i32>} : memref<2x256xi32, #tpu.memory_space<vmem>>, vector<16xi32>,
      %get3A_47 = arith.constant 0 : index
      %get3A_48 = tpu.vector_load %run_scoped3A_1[%get3A_47] {strides = array<i32>} : memref<256xf32, #tpu.memory_space<vmem>>, vector<16xf32>,
      %gather3A = tpu.vector_load_idx %run_scoped3A[%get3A_46] : memref<64xf32, #tpu.memory_space<vmem>>[vector<16xi32>], vector<16xf32>,
      %mul3A = arith.mulf %gather3A, %get3A_48 : vector<16xf32>
      %get3A_49 = arith.constant 0 : i32
      %get3A_50 = arith.index_cast %get3A_49 : i32 to index
      %get3A_51 = arith.constant 16 : index
      %get3A_52 = tpu.vector_load %run_scoped3A_0[%get3A_50, %get3A_51] {strides = array<i32>} : memref<2x256xi32, #tpu.memory_space<vmem>>, vector<16xi32>,
      %get3A_53 = arith.constant 1 : i32
      %get3A_54 = arith.index_cast %get3A_53 : i32 to index
      %get3A_55 = arith.constant 16 : index
      %get3A_56 = tpu.vector_load %run_scoped3A_0[%get3A_54, %get3A_55] {strides = array<i32>} : memref<2x256xi32, #tpu.memory_space<vmem>>, vector<16xi32>,
      %get3A_57 = arith.constant 16 : index
      %get3A_58 = tpu.vector_load %run_scoped3A_1[%get3A_57] {strides = array<i32>} : memref<256xf32, #tpu.memory_space<vmem>>, vector<16xf32>,
      %gather3A_59 = tpu.vector_load_idx %run_scoped3A[%get3A_56] : memref<64xf32, #tpu.memory_space<vmem>>[vector<16xi32>], vector<16xf32>,
      %mul3A_60 = arith.mulf %gather3A_59, %get3A_58 : vector<16xf32>
      %get3A_61 = arith.constant 0 : i32
      %get3A_62 = arith.index_cast %get3A_61 : i32 to index
      %get3A_63 = arith.constant 32 : index
      %get3A_64 = tpu.vector_load %run_scoped3A_0[%get3A_62, %get3A_63] {strides = array<i32>} : memref<2x256xi32, #tpu.memory_space<vmem>>, vector<16xi32>,
      %get3A_65 = arith.constant 1 : i32
      %get3A_66 = arith.index_cast %get3A_65 : i32 to index
      %get3A_67 = arith.constant 32 : index
      %get3A_68 = tpu.vector_load %run_scoped3A_0[%get3A_66, %get3A_67] {strides = array<i32>} : memref<2x256xi32, #tpu.memory_space<vmem>>, vector<16xi32>,
      %get3A_69 = arith.constant 32 : index
      %get3A_70 = tpu.vector_load %run_scoped3A_1[%get3A_69] {strides = array<i32>} : memref<256xf32, #tpu.memory_space<vmem>>, vector<16xf32>,
      %gather3A_71 = tpu.vector_load_idx %run_scoped3A[%get3A_68] : memref<64xf32, #tpu.memory_space<vmem>>[vector<16xi32>], vector<16xf32>,
      %mul3A_72 = arith.mulf %gather3A_71, %get3A_70 : vector<16xf32>
      %get3A_73 = arith.constant 0 : i32
      %get3A_74 = arith.index_cast %get3A_73 : i32 to index
      %get3A_75 = arith.constant 48 : index
      %get3A_76 = tpu.vector_load %run_scoped3A_0[%get3A_74, %get3A_75] {strides = array<i32>} : memref<2x256xi32, #tpu.memory_space<vmem>>, vector<16xi32>,
      %get3A_77 = arith.constant 1 : i32
      %get3A_78 = arith.index_cast %get3A_77 : i32 to index
      %get3A_79 = arith.constant 48 : index
      %get3A_80 = tpu.vector_load %run_scoped3A_0[%get3A_78, %get3A_79] {strides = array<i32>} : memref<2x256xi32, #tpu.memory_space<vmem>>, vector<16xi32>,
      %get3A_81 = arith.constant 48 : index
      %get3A_82 = tpu.vector_load %run_scoped3A_1[%get3A_81] {strides = array<i32>} : memref<256xf32, #tpu.memory_space<vmem>>, vector<16xf32>,
      %gather3A_83 = tpu.vector_load_idx %run_scoped3A[%get3A_80] : memref<64xf32, #tpu.memory_space<vmem>>[vector<16xi32>], vector<16xf32>,
      %mul3A_84 = arith.mulf %gather3A_83, %get3A_82 : vector<16xf32>
      %get3A_85 = arith.constant 0 : i32
      %get3A_86 = arith.index_cast %get3A_85 : i32 to index
      %get3A_87 = arith.constant 64 : index
      %get3A_88 = tpu.vector_load %run_scoped3A_0[%get3A_86, %get3A_87] {strides = array<i32>} : memref<2x256xi32, #tpu.memory_space<vmem>>, vector<16xi32>,
      %get3A_89 = arith.constant 1 : i32
      %get3A_90 = arith.index_cast %get3A_89 : i32 to index
      %get3A_91 = arith.constant 64 : index
      %get3A_92 = tpu.vector_load %run_scoped3A_0[%get3A_90, %get3A_91] {strides = array<i32>} : memref<2x256xi32, #tpu.memory_space<vmem>>, vector<16xi32>,
      %get3A_93 = arith.constant 64 : index
      %get3A_94 = tpu.vector_load %run_scoped3A_1[%get3A_93] {strides = array<i32>} : memref<256xf32, #tpu.memory_space<vmem>>, vector<16xf32>,
      %gather3A_95 = tpu.vector_load_idx %run_scoped3A[%get3A_92] : memref<64xf32, #tpu.memory_space<vmem>>[vector<16xi32>], vector<16xf32>,
      %mul3A_96 = arith.mulf %gather3A_95, %get3A_94 : vector<16xf32>
      %get3A_97 = arith.constant 0 : i32
      %get3A_98 = arith.index_cast %get3A_97 : i32 to index
      %get3A_99 = arith.constant 80 : index
      %get3A_100 = tpu.vector_load %run_scoped3A_0[%get3A_98, %get3A_99] {strides = array<i32>} : memref<2x256xi32, #tpu.memory_space<vmem>>, vector<16xi32>,
      %get3A_101 = arith.constant 1 : i32
      %get3A_102 = arith.index_cast %get3A_101 : i32 to index
      %get3A_103 = arith.constant 80 : index
      %get3A_104 = tpu.vector_load %run_scoped3A_0[%get3A_102, %get3A_103] {strides = array<i32>} : memref<2x256xi32, #tpu.memory_space<vmem>>, vector<16xi32>,
      %get3A_105 = arith.constant 80 : index
      %get3A_106 = tpu.vector_load %run_scoped3A_1[%get3A_105] {strides = array<i32>} : memref<256xf32, #tpu.memory_space<vmem>>, vector<16xf32>,
      %gather3A_107 = tpu.vector_load_idx %run_scoped3A[%get3A_104] : memref<64xf32, #tpu.memory_space<vmem>>[vector<16xi32>], vector<16xf32>,
      %mul3A_108 = arith.mulf %gather3A_107, %get3A_106 : vector<16xf32>
      %get3A_109 = arith.constant 0 : i32
      %get3A_110 = arith.index_cast %get3A_109 : i32 to index
      %get3A_111 = arith.constant 96 : index
      %get3A_112 = tpu.vector_load %run_scoped3A_0[%get3A_110, %get3A_111] {strides = array<i32>} : memref<2x256xi32, #tpu.memory_space<vmem>>, vector<16xi32>,
      %get3A_113 = arith.constant 1 : i32
      %get3A_114 = arith.index_cast %get3A_113 : i32 to index
      %get3A_115 = arith.constant 96 : index
      %get3A_116 = tpu.vector_load %run_scoped3A_0[%get3A_114, %get3A_115] {strides = array<i32>} : memref<2x256xi32, #tpu.memory_space<vmem>>, vector<16xi32>,
      %get3A_117 = arith.constant 96 : index
      %get3A_118 = tpu.vector_load %run_scoped3A_1[%get3A_117] {strides = array<i32>} : memref<256xf32, #tpu.memory_space<vmem>>, vector<16xf32>,
      %gather3A_119 = tpu.vector_load_idx %run_scoped3A[%get3A_116] : memref<64xf32, #tpu.memory_space<vmem>>[vector<16xi32>], vector<16xf32>,
      %mul3A_120 = arith.mulf %gather3A_119, %get3A_118 : vector<16xf32>
      %get3A_121 = arith.constant 0 : i32
      %get3A_122 = arith.index_cast %get3A_121 : i32 to index
      %get3A_123 = arith.constant 112 : index
      %get3A_124 = tpu.vector_load %run_scoped3A_0[%get3A_122, %get3A_123] {strides = array<i32>} : memref<2x256xi32, #tpu.memory_space<vmem>>, vector<16xi32>,
      %get3A_125 = arith.constant 1 : i32
      %get3A_126 = arith.index_cast %get3A_125 : i32 to index
      %get3A_127 = arith.constant 112 : index
      %get3A_128 = tpu.vector_load %run_scoped3A_0[%get3A_126, %get3A_127] {strides = array<i32>} : memref<2x256xi32, #tpu.memory_space<vmem>>, vector<16xi32>,
      %get3A_129 = arith.constant 112 : index
      %get3A_130 = tpu.vector_load %run_scoped3A_1[%get3A_129] {strides = array<i32>} : memref<256xf32, #tpu.memory_space<vmem>>, vector<16xf32>,
      %gather3A_131 = tpu.vector_load_idx %run_scoped3A[%get3A_128] : memref<64xf32, #tpu.memory_space<vmem>>[vector<16xi32>], vector<16xf32>,
      %mul3A_132 = arith.mulf %gather3A_131, %get3A_130 : vector<16xf32>
      %get3A_133 = arith.constant 0 : i32
      %get3A_134 = arith.index_cast %get3A_133 : i32 to index
      %get3A_135 = arith.constant 128 : index
      %get3A_136 = tpu.vector_load %run_scoped3A_0[%get3A_134, %get3A_135] {strides = array<i32>} : memref<2x256xi32, #tpu.memory_space<vmem>>, vector<16xi32>,
      %get3A_137 = arith.constant 1 : i32
      %get3A_138 = arith.index_cast %get3A_137 : i32 to index
      %get3A_139 = arith.constant 128 : index
      %get3A_140 = tpu.vector_load %run_scoped3A_0[%get3A_138, %get3A_139] {strides = array<i32>} : memref<2x256xi32, #tpu.memory_space<vmem>>, vector<16xi32>,
      %get3A_141 = arith.constant 128 : index
      %get3A_142 = tpu.vector_load %run_scoped3A_1[%get3A_141] {strides = array<i32>} : memref<256xf32, #tpu.memory_space<vmem>>, vector<16xf32>,
      %gather3A_143 = tpu.vector_load_idx %run_scoped3A[%get3A_140] : memref<64xf32, #tpu.memory_space<vmem>>[vector<16xi32>], vector<16xf32>,
      %mul3A_144 = arith.mulf %gather3A_143, %get3A_142 : vector<16xf32>
      %get3A_145 = arith.constant 0 : i32
      %get3A_146 = arith.index_cast %get3A_145 : i32 to index
      %get3A_147 = arith.constant 144 : index
      %get3A_148 = tpu.vector_load %run_scoped3A_0[%get3A_146, %get3A_147] {strides = array<i32>} : memref<2x256xi32, #tpu.memory_space<vmem>>, vector<16xi32>,
      %get3A_149 = arith.constant 1 : i32
      %get3A_150 = arith.index_cast %get3A_149 : i32 to index
      %get3A_151 = arith.constant 144 : index
      %get3A_152 = tpu.vector_load %run_scoped3A_0[%get3A_150, %get3A_151] {strides = array<i32>} : memref<2x256xi32, #tpu.memory_space<vmem>>, vector<16xi32>,
      %get3A_153 = arith.constant 144 : index
      %get3A_154 = tpu.vector_load %run_scoped3A_1[%get3A_153] {strides = array<i32>} : memref<256xf32, #tpu.memory_space<vmem>>, vector<16xf32>,
      %gather3A_155 = tpu.vector_load_idx %run_scoped3A[%get3A_152] : memref<64xf32, #tpu.memory_space<vmem>>[vector<16xi32>], vector<16xf32>,
      %mul3A_156 = arith.mulf %gather3A_155, %get3A_154 : vector<16xf32>
      %get3A_157 = arith.constant 0 : i32
      %get3A_158 = arith.index_cast %get3A_157 : i32 to index
      %get3A_159 = arith.constant 160 : index
      %get3A_160 = tpu.vector_load %run_scoped3A_0[%get3A_158, %get3A_159] {strides = array<i32>} : memref<2x256xi32, #tpu.memory_space<vmem>>, vector<16xi32>,
      %get3A_161 = arith.constant 1 : i32
      %get3A_162 = arith.index_cast %get3A_161 : i32 to index
      %get3A_163 = arith.constant 160 : index
      %get3A_164 = tpu.vector_load %run_scoped3A_0[%get3A_162, %get3A_163] {strides = array<i32>} : memref<2x256xi32, #tpu.memory_space<vmem>>, vector<16xi32>,
      %get3A_165 = arith.constant 160 : index
      %get3A_166 = tpu.vector_load %run_scoped3A_1[%get3A_165] {strides = array<i32>} : memref<256xf32, #tpu.memory_space<vmem>>, vector<16xf32>,
      %gather3A_167 = tpu.vector_load_idx %run_scoped3A[%get3A_164] : memref<64xf32, #tpu.memory_space<vmem>>[vector<16xi32>], vector<16xf32>,
      %mul3A_168 = arith.mulf %gather3A_167, %get3A_166 : vector<16xf32>
      %get3A_169 = arith.constant 0 : i32
      %get3A_170 = arith.index_cast %get3A_169 : i32 to index
      %get3A_171 = arith.constant 176 : index
      %get3A_172 = tpu.vector_load %run_scoped3A_0[%get3A_170, %get3A_171] {strides = array<i32>} : memref<2x256xi32, #tpu.memory_space<vmem>>, vector<16xi32>,
      %get3A_173 = arith.constant 1 : i32
      %get3A_174 = arith.index_cast %get3A_173 : i32 to index
      %get3A_175 = arith.constant 176 : index
      %get3A_176 = tpu.vector_load %run_scoped3A_0[%get3A_174, %get3A_175] {strides = array<i32>} : memref<2x256xi32, #tpu.memory_space<vmem>>, vector<16xi32>,
      %get3A_177 = arith.constant 176 : index
      %get3A_178 = tpu.vector_load %run_scoped3A_1[%get3A_177] {strides = array<i32>} : memref<256xf32, #tpu.memory_space<vmem>>, vector<16xf32>,
      %gather3A_179 = tpu.vector_load_idx %run_scoped3A[%get3A_176] : memref<64xf32, #tpu.memory_space<vmem>>[vector<16xi32>], vector<16xf32>,
      %mul3A_180 = arith.mulf %gather3A_179, %get3A_178 : vector<16xf32>
      %get3A_181 = arith.constant 0 : i32
      %get3A_182 = arith.index_cast %get3A_181 : i32 to index
      %get3A_183 = arith.constant 192 : index
      %get3A_184 = tpu.vector_load %run_scoped3A_0[%get3A_182, %get3A_183] {strides = array<i32>} : memref<2x256xi32, #tpu.memory_space<vmem>>, vector<16xi32>,
      %get3A_185 = arith.constant 1 : i32
      %get3A_186 = arith.index_cast %get3A_185 : i32 to index
      %get3A_187 = arith.constant 192 : index
      %get3A_188 = tpu.vector_load %run_scoped3A_0[%get3A_186, %get3A_187] {strides = array<i32>} : memref<2x256xi32, #tpu.memory_space<vmem>>, vector<16xi32>,
      %get3A_189 = arith.constant 192 : index
      %get3A_190 = tpu.vector_load %run_scoped3A_1[%get3A_189] {strides = array<i32>} : memref<256xf32, #tpu.memory_space<vmem>>, vector<16xf32>,
      %gather3A_191 = tpu.vector_load_idx %run_scoped3A[%get3A_188] : memref<64xf32, #tpu.memory_space<vmem>>[vector<16xi32>], vector<16xf32>,
      %mul3A_192 = arith.mulf %gather3A_191, %get3A_190 : vector<16xf32>
      %get3A_193 = arith.constant 0 : i32
      %get3A_194 = arith.index_cast %get3A_193 : i32 to index
      %get3A_195 = arith.constant 208 : index
      %get3A_196 = tpu.vector_load %run_scoped3A_0[%get3A_194, %get3A_195] {strides = array<i32>} : memref<2x256xi32, #tpu.memory_space<vmem>>, vector<16xi32>,
      %get3A_197 = arith.constant 1 : i32
      %get3A_198 = arith.index_cast %get3A_197 : i32 to index
      %get3A_199 = arith.constant 208 : index
      %get3A_200 = tpu.vector_load %run_scoped3A_0[%get3A_198, %get3A_199] {strides = array<i32>} : memref<2x256xi32, #tpu.memory_space<vmem>>, vector<16xi32>,
      %get3A_201 = arith.constant 208 : index
      %get3A_202 = tpu.vector_load %run_scoped3A_1[%get3A_201] {strides = array<i32>} : memref<256xf32, #tpu.memory_space<vmem>>, vector<16xf32>,
      %gather3A_203 = tpu.vector_load_idx %run_scoped3A[%get3A_200] : memref<64xf32, #tpu.memory_space<vmem>>[vector<16xi32>], vector<16xf32>,
      %mul3A_204 = arith.mulf %gather3A_203, %get3A_202 : vector<16xf32>
      %get3A_205 = arith.constant 0 : i32
      %get3A_206 = arith.index_cast %get3A_205 : i32 to index
      %get3A_207 = arith.constant 224 : index
      %get3A_208 = tpu.vector_load %run_scoped3A_0[%get3A_206, %get3A_207] {strides = array<i32>} : memref<2x256xi32, #tpu.memory_space<vmem>>, vector<16xi32>,
      %get3A_209 = arith.constant 1 : i32
      %get3A_210 = arith.index_cast %get3A_209 : i32 to index
      %get3A_211 = arith.constant 224 : index
      %get3A_212 = tpu.vector_load %run_scoped3A_0[%get3A_210, %get3A_211] {strides = array<i32>} : memref<2x256xi32, #tpu.memory_space<vmem>>, vector<16xi32>,
      %get3A_213 = arith.constant 224 : index
      %get3A_214 = tpu.vector_load %run_scoped3A_1[%get3A_213] {strides = array<i32>} : memref<256xf32, #tpu.memory_space<vmem>>, vector<16xf32>,
      %gather3A_215 = tpu.vector_load_idx %run_scoped3A[%get3A_212] : memref<64xf32, #tpu.memory_space<vmem>>[vector<16xi32>], vector<16xf32>,
      %mul3A_216 = arith.mulf %gather3A_215, %get3A_214 : vector<16xf32>
      %get3A_217 = arith.constant 0 : i32
      %get3A_218 = arith.index_cast %get3A_217 : i32 to index
      %get3A_219 = arith.constant 240 : index
      %get3A_220 = tpu.vector_load %run_scoped3A_0[%get3A_218, %get3A_219] {strides = array<i32>} : memref<2x256xi32, #tpu.memory_space<vmem>>, vector<16xi32>,
      %get3A_221 = arith.constant 1 : i32
      %get3A_222 = arith.index_cast %get3A_221 : i32 to index
      %get3A_223 = arith.constant 240 : index
      %get3A_224 = tpu.vector_load %run_scoped3A_0[%get3A_222, %get3A_223] {strides = array<i32>} : memref<2x256xi32, #tpu.memory_space<vmem>>, vector<16xi32>,
      %get3A_225 = arith.constant 240 : index
      %get3A_226 = tpu.vector_load %run_scoped3A_1[%get3A_225] {strides = array<i32>} : memref<256xf32, #tpu.memory_space<vmem>>, vector<16xf32>,
      %gather3A_227 = tpu.vector_load_idx %run_scoped3A[%get3A_224] : memref<64xf32, #tpu.memory_space<vmem>>[vector<16xi32>], vector<16xf32>,
      %mul3A_228 = arith.mulf %gather3A_227, %get3A_226 : vector<16xf32>
      tpu.vector_store_idx %run_scoped3A_2[%get3A_42], %mul3A {add = true} : memref<64xf32, #tpu.memory_space<vmem>>[vector<16xi32>], vector<16xf32>,
      tpu.vector_store_idx %run_scoped3A_3[%get3A_52], %mul3A_60 {add = true} : memref<64xf32, #tpu.memory_space<vmem>>[vector<16xi32>], vector<16xf32>,
      tpu.vector_store_idx %run_scoped3A_4[%get3A_64], %mul3A_72 {add = true} : memref<64xf32, #tpu.memory_space<vmem>>[vector<16xi32>], vector<16xf32>,
      tpu.vector_store_idx %run_scoped3A_5[%get3A_76], %mul3A_84 {add = true} : memref<64xf32, #tpu.memory_space<vmem>>[vector<16xi32>], vector<16xf32>,
      tpu.vector_store_idx %run_scoped3A_2[%get3A_88], %mul3A_96 {add = true} : memref<64xf32, #tpu.memory_space<vmem>>[vector<16xi32>], vector<16xf32>,
      tpu.vector_store_idx %run_scoped3A_3[%get3A_100], %mul3A_108 {add = true} : memref<64xf32, #tpu.memory_space<vmem>>[vector<16xi32>], vector<16xf32>,
      tpu.vector_store_idx %run_scoped3A_4[%get3A_112], %mul3A_120 {add = true} : memref<64xf32, #tpu.memory_space<vmem>>[vector<16xi32>], vector<16xf32>,
      tpu.vector_store_idx %run_scoped3A_5[%get3A_124], %mul3A_132 {add = true} : memref<64xf32, #tpu.memory_space<vmem>>[vector<16xi32>], vector<16xf32>,
      tpu.vector_store_idx %run_scoped3A_2[%get3A_136], %mul3A_144 {add = true} : memref<64xf32, #tpu.memory_space<vmem>>[vector<16xi32>], vector<16xf32>,
      tpu.vector_store_idx %run_scoped3A_3[%get3A_148], %mul3A_156 {add = true} : memref<64xf32, #tpu.memory_space<vmem>>[vector<16xi32>], vector<16xf32>,
      tpu.vector_store_idx %run_scoped3A_4[%get3A_160], %mul3A_168 {add = true} : memref<64xf32, #tpu.memory_space<vmem>>[vector<16xi32>], vector<16xf32>,
      tpu.vector_store_idx %run_scoped3A_5[%get3A_172], %mul3A_180 {add = true} : memref<64xf32, #tpu.memory_space<vmem>>[vector<16xi32>], vector<16xf32>,
      tpu.vector_store_idx %run_scoped3A_2[%get3A_184], %mul3A_192 {add = true} : memref<64xf32, #tpu.memory_space<vmem>>[vector<16xi32>], vector<16xf32>,
      tpu.vector_store_idx %run_scoped3A_3[%get3A_196], %mul3A_204 {add = true} : memref<64xf32, #tpu.memory_space<vmem>>[vector<16xi32>], vector<16xf32>,
      tpu.vector_store_idx %run_scoped3A_4[%get3A_208], %mul3A_216 {add = true} : memref<64xf32, #tpu.memory_space<vmem>>[vector<16xi32>], vector<16xf32>,
      tpu.vector_store_idx %run_scoped3A_5[%get3A_220], %mul3A_228 {add = true} : memref<64xf32, #tpu.memory_space<vmem>>[vector<16xi32>], vector<16xf32>,
      %get3A_229 = arith.constant 0 : index
      %get3A_230 = tpu.vector_load %run_scoped3A_2[%get3A_229] {strides = array<i32>} : memref<64xf32, #tpu.memory_space<vmem>>, vector<16xf32>,
      %get3A_231 = arith.constant 0 : index
      %get3A_232 = tpu.vector_load %run_scoped3A_3[%get3A_231] {strides = array<i32>} : memref<64xf32, #tpu.memory_space<vmem>>, vector<16xf32>,
      %add3A = arith.addf %get3A_230, %get3A_232 : vector<16xf32>
      %get3A_233 = arith.constant 0 : index
      %get3A_234 = tpu.vector_load %run_scoped3A_4[%get3A_233] {strides = array<i32>} : memref<64xf32, #tpu.memory_space<vmem>>, vector<16xf32>,
      %get3A_235 = arith.constant 0 : index
      %get3A_236 = tpu.vector_load %run_scoped3A_5[%get3A_235] {strides = array<i32>} : memref<64xf32, #tpu.memory_space<vmem>>, vector<16xf32>,
      %add3A_237 = arith.addf %get3A_234, %get3A_236 : vector<16xf32>
      %add3A_238 = arith.addf %add3A, %add3A_237 : vector<16xf32>
      %swap3A_239 = arith.constant 0 : index
      %swap3A_240 = tpu.vector_load %run_scoped3A_2[%swap3A_239] {strides = array<i32>} : memref<64xf32, #tpu.memory_space<vmem>>, vector<16xf32>,
      tpu.vector_store %run_scoped3A_2[%swap3A_239], %add3A_238 {strides = array<i32>} : memref<64xf32, #tpu.memory_space<vmem>>, vector<16xf32>,
      %get3A_241 = arith.constant 16 : index
      %get3A_242 = tpu.vector_load %run_scoped3A_2[%get3A_241] {strides = array<i32>} : memref<64xf32, #tpu.memory_space<vmem>>, vector<16xf32>,
      %get3A_243 = arith.constant 16 : index
      %get3A_244 = tpu.vector_load %run_scoped3A_3[%get3A_243] {strides = array<i32>} : memref<64xf32, #tpu.memory_space<vmem>>, vector<16xf32>,
      %add3A_245 = arith.addf %get3A_242, %get3A_244 : vector<16xf32>
      %get3A_246 = arith.constant 16 : index
      %get3A_247 = tpu.vector_load %run_scoped3A_4[%get3A_246] {strides = array<i32>} : memref<64xf32, #tpu.memory_space<vmem>>, vector<16xf32>,
      %get3A_248 = arith.constant 16 : index
      %get3A_249 = tpu.vector_load %run_scoped3A_5[%get3A_248] {strides = array<i32>} : memref<64xf32, #tpu.memory_space<vmem>>, vector<16xf32>,
      %add3A_250 = arith.addf %get3A_247, %get3A_249 : vector<16xf32>
      %add3A_251 = arith.addf %add3A_245, %add3A_250 : vector<16xf32>
      %swap3A_252 = arith.constant 16 : index
      %swap3A_253 = tpu.vector_load %run_scoped3A_2[%swap3A_252] {strides = array<i32>} : memref<64xf32, #tpu.memory_space<vmem>>, vector<16xf32>,
      tpu.vector_store %run_scoped3A_2[%swap3A_252], %add3A_251 {strides = array<i32>} : memref<64xf32, #tpu.memory_space<vmem>>, vector<16xf32>,
      %get3A_254 = arith.constant 32 : index
      %get3A_255 = tpu.vector_load %run_scoped3A_2[%get3A_254] {strides = array<i32>} : memref<64xf32, #tpu.memory_space<vmem>>, vector<16xf32>,
      %get3A_256 = arith.constant 32 : index
      %get3A_257 = tpu.vector_load %run_scoped3A_3[%get3A_256] {strides = array<i32>} : memref<64xf32, #tpu.memory_space<vmem>>, vector<16xf32>,
      %add3A_258 = arith.addf %get3A_255, %get3A_257 : vector<16xf32>
      %get3A_259 = arith.constant 32 : index
      %get3A_260 = tpu.vector_load %run_scoped3A_4[%get3A_259] {strides = array<i32>} : memref<64xf32, #tpu.memory_space<vmem>>, vector<16xf32>,
      %get3A_261 = arith.constant 32 : index
      %get3A_262 = tpu.vector_load %run_scoped3A_5[%get3A_261] {strides = array<i32>} : memref<64xf32, #tpu.memory_space<vmem>>, vector<16xf32>,
      %add3A_263 = arith.addf %get3A_260, %get3A_262 : vector<16xf32>
      %add3A_264 = arith.addf %add3A_258, %add3A_263 : vector<16xf32>
      %swap3A_265 = arith.constant 32 : index
      %swap3A_266 = tpu.vector_load %run_scoped3A_2[%swap3A_265] {strides = array<i32>} : memref<64xf32, #tpu.memory_space<vmem>>, vector<16xf32>,
      tpu.vector_store %run_scoped3A_2[%swap3A_265], %add3A_264 {strides = array<i32>} : memref<64xf32, #tpu.memory_space<vmem>>, vector<16xf32>,
      %get3A_267 = arith.constant 48 : index
      %get3A_268 = tpu.vector_load %run_scoped3A_2[%get3A_267] {strides = array<i32>} : memref<64xf32, #tpu.memory_space<vmem>>, vector<16xf32>,
      %get3A_269 = arith.constant 48 : index
      %get3A_270 = tpu.vector_load %run_scoped3A_3[%get3A_269] {strides = array<i32>} : memref<64xf32, #tpu.memory_space<vmem>>, vector<16xf32>,
      %add3A_271 = arith.addf %get3A_268, %get3A_270 : vector<16xf32>
      %get3A_272 = arith.constant 48 : index
      %get3A_273 = tpu.vector_load %run_scoped3A_4[%get3A_272] {strides = array<i32>} : memref<64xf32, #tpu.memory_space<vmem>>, vector<16xf32>,
      %get3A_274 = arith.constant 48 : index
      %get3A_275 = tpu.vector_load %run_scoped3A_5[%get3A_274] {strides = array<i32>} : memref<64xf32, #tpu.memory_space<vmem>>, vector<16xf32>,
      %add3A_276 = arith.addf %get3A_273, %get3A_275 : vector<16xf32>
      %add3A_277 = arith.addf %add3A_271, %add3A_276 : vector<16xf32>
      %swap3A_278 = arith.constant 48 : index
      %swap3A_279 = tpu.vector_load %run_scoped3A_2[%swap3A_278] {strides = array<i32>} : memref<64xf32, #tpu.memory_space<vmem>>, vector<16xf32>,
      tpu.vector_store %run_scoped3A_2[%swap3A_278], %add3A_277 {strides = array<i32>} : memref<64xf32, #tpu.memory_space<vmem>>, vector<16xf32>,
      "tpu.region"() ({
        %run_scoped3A_280 = tpu.sem_alloc : memref<!tpu.dma_semaphore, #tpu.memory_space<semaphore_mem>>
        tpu.enqueue_dma source(%run_scoped3A_2 : memref<64xf32, #tpu.memory_space<vmem>>) target(%arg5 : memref<64xf32, #tpu.memory_space<hbm>>) target_semaphore(%run_scoped3A_280 : memref<!tpu.dma_semaphore, #tpu.memory_space<semaphore_mem>>)
        tpu.wait_dma2 semaphore(%run_scoped3A_280 : memref<!tpu.dma_semaphore, #tpu.memory_space<semaphore_mem>>) src(%run_scoped3A_2 : memref<64xf32, #tpu.memory_space<vmem>>) dst(%arg5 : memref<64xf32, #tpu.memory_space<hbm>>)
        tpu.yield
      }) : () -> ()
      tpu.yield
    }) : () -> ()
    return
  }
}

</mosaic_0001>

<sc_bundles>
// kernel: _spmv.3.cloned.1.call-start
scs
__scs_entry_jumppad:
0x0: {  	(pc) =	sbr.rel $0x88, $3  }
0x1: {  	(tag) =	ssettag $0x0;
	lr =	simm.s32 $0x1  }
0x2: {  	[smem:$0x3F9E] =	sst lr;
	_ =	strace $0xD0000000  }
0x3: {  	_ = 	snop  }
0x4: {  	_ = 	snop  }
0x5: {  	_ = 	snop  }
0x6: {  	_ = 	snop  }
0x7: {  	_ = 	snop  }
__scs_overlays_trampoline_lowered:
0x8: {  	[smem:$0x3FAD] =	sst s0  }
0x9: {  	[smem:$0x3FAE] =	sst s1  }
0xa: {  	[smem:$0x3FAF] =	sst s2  }
0xb: {  	[smem:$0x3FB0] =	sst s3  }
0xc: {  	[smem:$0x3FB1] =	sst s4  }
0xd: {  	[smem:$0x3FB2] =	sst s5  }
0xe: {  	[smem:$0x3FB3] =	sst s6  }
0xf: {  	[smem:$0x3FB4] =	sst s7  }
0x10: {  	[smem:$0x3FB5] =	sst s8  }
0x11: {  	[smem:$0x3FB6] =	sst s9;
	s0 =	simm.s32 @!p0 $0x0  }
0x12: {  	s1 =	sld [smem:$0x3F9C];
	s0 =	simm.s32 @p0 $0x1  }
0x13: {  	[smem:$0x3FB7] =	sst s0;
	s0 =	simm.s32 @!p1 $0x0  }
0x14: {  	s2 =	sld [smem:$0x3F9B];
	s0 =	simm.s32 @p1 $0x1  }
0x15: {  	[smem:$0x3FB8] =	sst s0;
	s0 =	simm.s32 @!p2 $0x0  }
0x16: {  	s3 =	sld [smem:$0x3FDB];
	s0 =	simm.s32 @p2 $0x1  }
0x17: {  	s4 =	simm.s32 $0x1BF5;
	[smem:$0x3FBA] =	sst s0  }
0x18: {  	s0 =	sld [smem:$0x3F9D];
	_ =	swait.ge [sflag:s4], $0x0  }
0x19: {  	s7 =	sld [smem:$0x3F9E]  }
0x1a: {  	s8 =	sadd.s32 $0xFFFFE003, lr  }
0x1b: {  	s9 =	sadd.s32 $0xFFFFFEF7, lr;
	s5 =	simm.s32 $0xFFFFFFFF;
	p2 =	slt.u32 s8, $0xFFFFF086  }
0x1c: {  	p1 =	slt.u32 s9, $0xF7A;
	s5 =	simm.s32 @!p2 $0x0  }
0x1d: {  	s5 =	simm.s32 @p1 $0x1;
	p0 =	seq.s32 s7, s2  }
0x1e: {  	s7 =	smul.u32 @!p0 $0xF7A, s2;
	p2 =	seq.s32 @!p0 s5, $0x0  }
0x1f: {  	s9 =	smul.u32 $0xF7A, s1;
	s8 =	simm.s32 @!p0 $0x1BF5;
	p2 =	por !p2, p0  }
0x20: {  	[sflag:s8] =	ssyncset.s32 @!p0 $0xFFFFF086;
	s6 =	sadd.s32 @!p0 s3, s7;
	s7 =	simm.s32 @!p0 $0x108  }
0x21: {  	s3 =	sadd.s32 s3, s9;
	s6 =	sadd.s32 @!p0 $0x88, s6;
	s7 =	simm.s32 @p2 $0x1082  }
0x22: {  	[simem:s7], [sflag:s8] =	dma.local @!p0 [hbm:s6], $0xF7A  }
0x23: {  	s9 =	sor.u32 $0xD0000000, s2;
	s6 =	simm.s32 $0x108;
	_ =	swait.ge @!p0 [sflag:s8], $0x0  }
0x24: {  	s3 =	sadd.s32 $0x88, s3;
	s6 =	simm.s32 @!p1 $0x1082;
	[sflag:s4] =	ssyncset.s32 $0xFFFFF086  }
0x25: {  	[simem:s6], [sflag:s4] =	dma.local [hbm:s3], $0xF7A  }
0x26: {  	[smem:$0x3F9E] =	sst s1;
	(tag) =	ssettag s2;
	_ =	strace s9  }
0x27: {  	s1 =	sld [smem:$0x3FAE]  }
0x28: {  	s2 =	sld [smem:$0x3FAF]  }
0x29: {  	s4 =	sld [smem:$0x3FB1]  }
0x2a: {  	p0 =	seq.s32 s5, $0x0;
	s5 =	sld [smem:$0x3FB2]  }
0x2b: {  	s6 =	sld [smem:$0x3FB3]  }
0x2c: {  	s7 =	sld [smem:$0x3FB4]  }
0x2d: {  	s3 =	simm.s32 $0x108;
	s8 =	sld [smem:$0x3FB5]  }
0x2e: {  	s3 =	simm.s32 @!p0 $0x1082;
	s9 =	sld [smem:$0x3FB6]  }
0x2f: {  	lr =	sadd.s32 s0, s3;
	s0 =	sld [smem:$0x3FAD]  }
0x30: {  	s3 =	sld [smem:$0x3FB0]  }
0x31: {  	[smem:$0x3FB9] =	sst s10  }
0x32: {  	s10 =	sld [smem:$0x3FB7];
	_ =	sdelay $0x3  }
0x33: {  	p0 =	seq.s32 s10, $0x1;
	s10 =	sld [smem:$0x3FB9];
	_ =	sdelay $0x3  }
0x34: {  	[smem:$0x3FB9] =	sst s10  }
0x35: {  	s10 =	sld [smem:$0x3FB8];
	_ =	sdelay $0x3  }
0x36: {  	p1 =	seq.s32 s10, $0x1;
	s10 =	sld [smem:$0x3FB9];
	_ =	sdelay $0x3  }
0x37: {  	[smem:$0x3FB9] =	sst s10  }
0x38: {  	s10 =	sld [smem:$0x3FBA]  }
0x39: {  	_ = 	snop;
	(pc) =	sbr.ind lr, $3  }
0x3a: {  	_ = 	snop  }
0x3b: {  	_ = 	snop  }
0x3c: {  	p2 =	seq.s32 s10, $0x1;
	s10 =	sld [smem:$0x3FB9]  }
0x3d: {  	_ =	shalt  }
0x3e: {  	_ =	shalt  }
0x3f: {  	_ =	shalt  }
0x40: {  	_ =	shalt  }
0x41: {  	_ =	shalt  }
0x42: {  	_ =	shalt  }
0x43: {  	_ =	shalt  }
0x44: {  	_ =	shalt  }
0x45: {  	_ =	shalt  }
0x46: {  	_ =	shalt  }
0x47: {  	_ =	shalt  }
0x48: {  	_ =	shalt  }
0x49: {  	_ =	shalt  }
0x4a: {  	_ =	shalt  }
0x4b: {  	_ =	shalt  }
0x4c: {  	_ =	shalt  }
0x4d: {  	_ =	shalt  }
0x4e: {  	_ =	shalt  }
0x4f: {  	_ =	shalt  }
0x50: {  	_ =	shalt  }
0x51: {  	_ =	shalt  }
0x52: {  	_ =	shalt  }
0x53: {  	_ =	shalt  }
0x54: {  	_ =	shalt  }
0x55: {  	_ =	shalt  }
0x56: {  	_ =	shalt  }
0x57: {  	_ =	shalt  }
0x58: {  	_ =	shalt  }
0x59: {  	_ =	shalt  }
0x5a: {  	_ =	shalt  }
0x5b: {  	_ =	shalt  }
0x5c: {  	_ =	shalt  }
0x5d: {  	_ =	shalt  }
0x5e: {  	_ =	shalt  }
0x5f: {  	_ =	shalt  }
0x60: {  	_ =	shalt  }
0x61: {  	_ =	shalt  }
0x62: {  	_ =	shalt  }
0x63: {  	_ =	shalt  }
0x64: {  	_ =	shalt  }
0x65: {  	_ =	shalt  }
0x66: {  	_ =	shalt  }
0x67: {  	_ =	shalt  }
0x68: {  	_ =	shalt  }
0x69: {  	_ =	shalt  }
0x6a: {  	_ =	shalt  }
0x6b: {  	_ =	shalt  }
0x6c: {  	_ =	shalt  }
0x6d: {  	_ =	shalt  }
0x6e: {  	_ =	shalt  }
0x6f: {  	_ =	shalt  }
0x70: {  	_ =	shalt  }
0x71: {  	_ =	shalt  }
0x72: {  	_ =	shalt  }
0x73: {  	_ =	shalt  }
0x74: {  	_ =	shalt  }
0x75: {  	_ =	shalt  }
0x76: {  	_ =	shalt  }
0x77: {  	_ =	shalt  }
0x78: {  	_ =	shalt  }
0x79: {  	_ =	shalt  }
0x7a: {  	_ =	shalt  }
0x7b: {  	_ =	shalt  }
0x7c: {  	_ =	shalt  }
0x7d: {  	_ =	shalt  }
0x7e: {  	_ =	shalt  }
0x7f: {  	_ =	shalt  }
0x80: {  	_ =	shalt  }
0x81: {  	_ =	shalt  }
0x82: {  	_ =	shalt  }
0x83: {  	_ =	shalt  }
0x84: {  	_ =	shalt  }
0x85: {  	_ =	shalt  }
0x86: {  	_ =	shalt  }
0x87: {  	_ =	shalt  }
.Lfunc_end0:
.L_simem_size_0:
called_computation_lowered:
.L_overlay_start_0:
0x88: {  	s0 =	sld [smem:$0x3FD9]  }
0x89: {  	s1 =	sld [smem:$0x3FFE];
	_ =	sdelay $0x3  }
0x8a: {  	s0 =	sadd.s32 s1, s0  }
0x8b: {  	[smem:$0x3FC5] =	sst s0  }
0x8c: {  	_ = 	snop  }
0x8d: {  	s12 =	sld [smem:$0x3FC9]  }
0x8e: {  	s2 =	sld [smem:$0x3FC8]  }
0x8f: {  	s3 =	sld [smem:$0x3FC7]  }
0x90: {  	s4 =	sld [smem:$0x3FD0];
	(tm) =	ssettm $0x1  }
0x91: {  	s13 =	sld [smem:$0x3FFB];
	_ =	sdelay $0x3  }
0x92: {  	_ =	strace s13  }
0x93: {  	s0 =	sld [smem:$0x3FFC];
	_ =	sdelay $0x3  }
0x94: {  	_ =	strace s0  }
0x95: {  	s0 =	sld [smem:$0x3FFD];
	_ =	sdelay $0x3  }
0x96: {  	_ =	strace s0  }
0x97: {  	_ =	strace $0x8FFFFFFF  }
0x98: {  	s14 =	sld [smem:$0x3FDB];
	_ =	sdelay $0x1  }
0x99: {  	s5 =	simm.s32 $_scs_section_size  }
0x9a: {  	s6 =	simm.s32 $_size__tile_overlayer_lowered;
	s7 =	simm.s32 $_tile_overlayer_lowered  }
0x9b: {  	s8 =	simm.s32 $0x1BFF;
	s15 =	sshll.u32 s7, $0x1;
	s5 =	sadd.s32 s5, s14  }
0x9c: {  	s16 =	simm.s32 $0x0;
	s6 =	sshll.u32 s6, $0x1;
	s7 =	sadd.s32 s15, s5  }
0x9d: {  	[timem:s16], [sflag:s8] =	dma.local [hbm:s7], s6  }
0x9e: {  	_ =	swait.ge [sflag:s8], s6  }
0x9f: {  	s6 =	ssub.s32 $0x0, s6;
	[sflag:s8] =	ssyncset.done $0x0  }
0xa0: {  	[sflag:s8] =	ssyncadd.s32 s6;
	_ =	sdelay $0x1  }
0xa1: {  	s17 =	simm.s32 $0x1B8B  }
0xa2: {  	_ =	swait.ge [sflag:s17], $0x1  }
0xa3: {  	[sflag:s17] =	ssyncset.done $0x0  }
0xa4: {  	s18 =	simm.s32 $0x1B8E;
	[sflag:s17] =	ssyncadd.s32 $0xFFFFFFFF  }
0xa5: {  	s19 =	simm.s32 $execute0_lowered;
	[smem:$0x3FD2] =	sst s18  }
0xa6: {  	s6 =	sshll.u32 s19, $0x1;
	_ =	strace $0x80000046;
	[dreg:$0x1] =	wrdreg $0xFFFFFFFF  }
0xa7: {  	s20 =	simm.s32 $_size_execute0_lowered;
	s5 =	sadd.s32 s5, s6;
	[dreg:$0x0] =	wrdreg $0x0  }
0xa8: {  	s6 =	sshll.u32 s20, $0x1;
	[dreg:$0x2] =	wrdreg s5  }
0xa9: {  	[dreg:$0x3] =	wrdreg s6  }
0xaa: {  	[dreg:$0x4] =	wrdreg $0xC0  }
0xab: {  	_ =	task [dreg:s16], $0x5FFFF  }
0xac: {  	[dreg:$0x1] =	wrdreg $0xFFFFFFFF  }
0xad: {  	[dreg:$0x0] =	wrdreg $0x60  }
0xae: {  	[dreg:$0x2] =	wrdreg s4  }
0xaf: {  	[dreg:$0x3] =	wrdreg $0x0  }
0xb0: {  	[dreg:$0x4] =	wrdreg $0x80  }
0xb1: {  	[dreg:$0x5] =	wrdreg $0x280  }
0xb2: {  	s21 =	simm.s32 $0xA;
	[dreg:$0x6] =	wrdreg $0x9  }
0xb3: {  	s22 =	simm.s32 $0x10;
	s23 =	simm.s32 $0x50;
	_ =	task.clear_ibuf [dreg:s16], $0x7FFFF  }
0xb4: {  	[spmem:s16], [sflag:s21] =	dma.local [hbm:s12], $0x10  }
0xb5: {  	[spmem:s22], [sflag:s21] =	dma.local [hbm:s2], $0x40  }
0xb6: {  	[spmem:s23], [sflag:s21] =	dma.local [hbm:s3], $0x20  }
0xb7: {  	_ =	swait.ge [sflag:s21], $0x10  }
0xb8: {  	[sflag:s21] =	ssyncset.done $0x0  }
0xb9: {  	[sflag:s21] =	ssyncadd.s32 $0xFFFFFFF0;
	_ =	sdelay $0x2  }
0xba: {  	_ =	swait.ge [sflag:s21], $0x40  }
0xbb: {  	[sflag:s21] =	ssyncset.done $0x0  }
0xbc: {  	[sflag:s21] =	ssyncadd.s32 $0xFFFFFFC0;
	_ =	sdelay $0x2  }
0xbd: {  	_ =	swait.ge [sflag:s21], $0x20  }
0xbe: {  	[sflag:s21] =	ssyncset.done $0x0  }
0xbf: {  	[sflag:s21] =	ssyncadd.s32 $0xFFFFFFE0  }
0xc0: {  	s24 =	sld [smem:$0x0];
	_ =	sdelay $0x1  }
0xc1: {  	s25 =	srdreg.scid  }
0xc2: {  	s26 =	sshrl.u32 s25, $0x2  }
0xc3: {  	s28 =	sand.u32 $0x2, s25;
	s1 =	sadd.s32 s26, s24  }
0xc4: {  	s4 =	sshll.u32 s28, $0xE;
	s1 =	sshll.u32 s1, $0x11  }
0xc5: {  	s1 =	sor.u32 s1, s4  }
0xc6: {  	s1 =	sor.u32 $0x11C01, s1  }
0xc7: {  	[sflag:s1] =	ssyncadd.remote.s32 $0x1  }
0xc8: {  	_ =	strace $0x90000046  }
0xc9: {  	s29 =	simm.s32 $0x9;
	_ =	strace $0x80000048  }
0xca: {  	_ =	swait.ge [sflag:s29], $0x1  }
0xcb: {  	[sflag:s29] =	ssyncadd.s32 $0xFFFFFFFF  }
0xcc: {  	_ =	strace $0x90000048  }
0xcd: {  	_ =	sfence  }
0xce: {  	s30 =	sld [smem:$0x0];
	_ =	sdelay $0x2  }
0xcf: {  	s31 =	sshll.u32 s25, $0xD  }
0xd0: {  	s2 =	sand.u32 $0x1, s25;
	s4 =	sand.u32 $0x4000, s31;
	s1 =	sadd.s32 s26, s30  }
0xd1: {  	s2 =	sor.u32 s4, s2;
	s1 =	sshll.u32 s1, $0x11  }
0xd2: {  	s1 =	sor.u32 s1, s2  }
0xd3: {  	s1 =	sadd.s32 $0x8F2B, s1  }
0xd4: {  	[sflag:s1] =	ssyncadd.remote.s32 $0x1  }
0xd5: {  	_ =	sfence.sel $0xFFFF  }
0xd6: {  	[dreg:$0x0] =	wrdreg $0xFFFFFFFF;
	(pc) =	sbr.abs _section_cstart, $3  }
0xd7: {  	[dreg:$0x1] =	wrdreg $0xFFFFFFFF  }
0xd8: {  	_ =	task.clear_ibuf [dreg:s16], $0x2FFFF;
	_ =	strace $0x9FFFFFFF  }
0xd9: {  	(tm) =	ssettm $0x7FFFFFFF  }
tec
execute0_lowered:
.L_overlay_start_1:
0x0: {  	(tag) =	ssettag $0x1  }
0x1: {  	s2 =	stileid.u32  }
0x2: {  	p0 =	sne.s32 s2, $0x0  }
.Ltmp0:
0x3: {  	s1 =	rddreg [dreg:$0x0];
	(pc) =	sbr.rel @p0 .LBB2_2-.Ltmp0, $4  }
0x4: {  	s5 =	rddreg [dreg:$0x1]  }
0x5: {  	s4 =	rddreg [dreg:$0x2]  }
0x6: {  	s3 =	rddreg [dreg:$0x3]  }
0x7: {  	s0 =	rddreg [dreg:$0x4];
	_ =	strace $0x80000047  }
0x8: {  	v0 =	vimm.f32 $0.0e+00  }
0x9: {  	[tilespmem:$0x3B8] =	vst v0  }
0xa: {  	[tilespmem:$0x438] =	vst v0  }
0xb: {  	[tilespmem:$0x4B8] =	vst v0  }
0xc: {  	[tilespmem:$0x538] =	vst v0  }
0xd: {  	[tilespmem:$0x3C8] =	vst v0  }
0xe: {  	[tilespmem:$0x448] =	vst v0  }
0xf: {  	[tilespmem:$0x4C8] =	vst v0  }
0x10: {  	[tilespmem:$0x548] =	vst v0  }
0x11: {  	[tilespmem:$0x3D8] =	vst v0  }
0x12: {  	[tilespmem:$0x458] =	vst v0  }
0x13: {  	[tilespmem:$0x4D8] =	vst v0  }
0x14: {  	[tilespmem:$0x558] =	vst v0  }
0x15: {  	[tilespmem:$0x3E8] =	vst v0  }
0x16: {  	[tilespmem:$0x468] =	vst v0  }
0x17: {  	[tilespmem:$0x4E8] =	vst v0  }
0x18: {  	s2 =	simm.s32 $0x1;
	[tilespmem:$0x568] =	vst v0  }
0x19: {  	_ =	swait.ge [sflag:s2], $0x1  }
0x1a: {  	[sflag:s2] =	ssyncset.done $0x0  }
0x1b: {  	s21 =	simm.s32 $0x38;
	[sflag:s2] =	ssyncadd.s32 $0xFFFFFFFF  }
0x1c: {  	[tilespmem:s21], [sflag:$0x2] =	stream.linear.gather [spmem:s5], $0x80, $0x38;
	[tilespmem:$0x5B8] =	vst v63  }
0x1d: {  	s22 =	simm.s32 $0xB8  }
0x1e: {  	[tilespmem:s22], [sflag:$0x2] =	stream.linear.gather [spmem:s4], $0x200, $0x38;
	[tilespmem:$0x5B8] =	vst v63  }
0x1f: {  	s23 =	simm.s32 $0x2B8;
	s24 =	simm.s32 $0x2  }
0x20: {  	[tilespmem:s23], [sflag:$0x2] =	stream.linear.gather [spmem:s3], $0x100, $0x38;
	[tilespmem:$0x5B8] =	vst v63  }
0x21: {  	_ =	swait.ge [sflag:s24], $0x80  }
0x22: {  	[sflag:s24] =	ssyncset.done $0x0  }
0x23: {  	[sflag:s24] =	ssyncadd.s32 $0xFFFFFF80  }
0x24: {  	_ =	swait.ge [sflag:s24], $0x200  }
0x25: {  	[sflag:s24] =	ssyncset.done $0x0  }
0x26: {  	[sflag:s24] =	ssyncadd.s32 $0xFFFFFE00  }
0x27: {  	_ =	swait.ge [sflag:s24], $0x100  }
0x28: {  	[sflag:s24] =	ssyncset.done $0x0  }
0x29: {  	[sflag:s24] =	ssyncadd.s32 $0xFFFFFF00  }
0x2a: {  	v50 =	vld [tilespmem:$0x138]  }
0x2b: {  	v1 =	vld [tilespmem:$0x148]  }
0x2c: {  	v2 =	vld [tilespmem:$0xB8]  }
0x2d: {  	v3 =	vld [tilespmem:$0x2B8]  }
0x2e: {  	v4 =	vld [tilespmem:$0x158]  }
0x2f: {  	v5 =	vld [tilespmem:$0xC8]  }
0x30: {  	v6 =	vld [tilespmem:$0x2C8]  }
0x31: {  	v7 =	vld [tilespmem:$0x168]  }
0x32: {  	v8 =	vld [tilespmem:$0xD8]  }
0x33: {  	v9 =	vld [tilespmem:$0x2D8]  }
0x34: {  	v10 =	vld [tilespmem:$0x178]  }
0x35: {  	v11 =	vld [tilespmem:$0xE8]  }
0x36: {  	v12 =	vld [tilespmem:$0x2E8]  }
0x37: {  	v13 =	vld [tilespmem:$0x188]  }
0x38: {  	v14 =	vld [tilespmem:$0xF8]  }
0x39: {  	v15 =	vld [tilespmem:$0x2F8]  }
0x3a: {  	v16 =	vld [tilespmem:$0x198]  }
0x3b: {  	v17 =	vld [tilespmem:$0x108]  }
0x3c: {  	v18 =	vld [tilespmem:$0x308]  }
0x3d: {  	v19 =	vld [tilespmem:$0x1A8]  }
0x3e: {  	v20 =	vld [tilespmem:$0x118]  }
0x3f: {  	v21 =	vld [tilespmem:$0x318]  }
0x40: {  	v22 =	vld [tilespmem:$0x238]  }
0x41: {  	v23 =	vld [tilespmem:$0x128]  }
0x42: {  	v24 =	vld [tilespmem:$0x328]  }
0x43: {  	v25 =	vld [tilespmem:$0x248]  }
0x44: {  	v26 =	vld [tilespmem:$0x1B8]  }
0x45: {  	v27 =	vld [tilespmem:$0x338]  }
0x46: {  	v28 =	vld [tilespmem:$0x258]  }
0x47: {  	v29 =	vld [tilespmem:$0x1C8]  }
0x48: {  	v30 =	vld [tilespmem:$0x348]  }
0x49: {  	v31 =	vld [tilespmem:$0x268]  }
0x4a: {  	v32 =	vld [tilespmem:$0x1D8]  }
0x4b: {  	v33 =	vld [tilespmem:$0x358]  }
0x4c: {  	v51 =	vld [tilespmem:$0x1E8]  }
0x4d: {  	v34 =	vld [tilespmem:$0x368]  }
0x4e: {  	v52 =	vld [tilespmem:$0x278]  }
0x4f: {  	v54 =	vld [tilespmem:$0x1F8]  }
0x50: {  	v55 =	vld [tilespmem:$0x288]  }
0x51: {  	v56 =	vld [tilespmem:$0x298]  }
0x52: {  	v57 =	vld [tilespmem:$0x2A8]  }
0x53: {  	v58 =	vld [tilespmem:$0x378]  }
0x54: {  	v59 =	vld [tilespmem:$0x208]  }
0x55: {  	v60 =	vld [tilespmem:$0x388]  }
0x56: {  	v61 =	vld [tilespmem:$0x218]  }
0x57: {  	v62 =	vld [tilespmem:$0x398]  }
0x58: {  	v63 =	vld [tilespmem:$0x228]  }
0x59: {  	v35 =	vld [tilespmem:$0x3A8]  }
0x5a: {  	v0 =	vld.idx.msk [tilespmem:v50+s21+$0x0], $0xffff  }
0x5b: {  	v1 =	vld.idx.msk [tilespmem:v1+s21+$0x0], $0xffff  }
0x5c: {  	v4 =	vld.idx.msk [tilespmem:v4+s21+$0x0], $0xffff  }
0x5d: {  	v7 =	vld.idx.msk [tilespmem:v7+s21+$0x0], $0xffff  }
0x5e: {  	v10 =	vld.idx.msk [tilespmem:v10+s21+$0x0], $0xffff  }
0x5f: {  	v13 =	vld.idx.msk [tilespmem:v13+s21+$0x0], $0xffff  }
0x60: {  	v16 =	vld.idx.msk [tilespmem:v16+s21+$0x0], $0xffff  }
0x61: {  	v19 =	vld.idx.msk [tilespmem:v19+s21+$0x0], $0xffff  }
0x62: {  	v22 =	vld.idx.msk [tilespmem:v22+s21+$0x0], $0xffff  }
0x63: {  	v25 =	vld.idx.msk [tilespmem:v25+s21+$0x0], $0xffff  }
0x64: {  	v28 =	vld.idx.msk [tilespmem:v28+s21+$0x0], $0xffff  }
0x65: {  	v53 =	vld.idx.msk [tilespmem:v31+s21+$0x0], $0xffff;
	v0 =	vmul.f32 v0, v3  }
0x66: {  	s25 =	simm.s32 $0x3B8;
	v31 =	vld.idx.msk [tilespmem:v55+s21+$0x0], $0xffff;
	v1 =	vmul.f32 v1, v6  }
0x67: {  	s26 =	simm.s32 $0x438;
	[tilespmem:v2+s25+$0x0] =	vst.idx.add.f32.msk $0xffff, v0  }
0x68: {  	v4 =	vmul.f32 v4, v9;
	[tilespmem:v5+s26+$0x0] =	vst.idx.add.f32.msk $0xffff, v1  }
0x69: {  	s28 =	simm.s32 $0x4B8;
	v0 =	vld.idx.msk [tilespmem:v52+s21+$0x0], $0xffff  }
0x6a: {  	[tilespmem:v8+s28+$0x0] =	vst.idx.add.f32.msk $0xffff, v4  }
0x6b: {  	v7 =	vmul.f32 v7, v12;
	v1 =	vld.idx.msk [tilespmem:v56+s21+$0x0], $0xffff  }
0x6c: {  	s29 =	simm.s32 $0x538;
	v10 =	vmul.f32 v10, v15;
	v5 =	vld.idx.msk [tilespmem:v57+s21+$0x0], $0xffff  }
0x6d: {  	v13 =	vmul.f32 v13, v18;
	[tilespmem:v11+s29+$0x0] =	vst.idx.add.f32.msk $0xffff, v7  }
0x6e: {  	v16 =	vmul.f32 v16, v21;
	[tilespmem:v14+s25+$0x0] =	vst.idx.add.f32.msk $0xffff, v10  }
0x6f: {  	v36 =	vmul.f32 v19, v24;
	[tilespmem:v17+s26+$0x0] =	vst.idx.add.f32.msk $0xffff, v13  }
0x70: {  	v37 =	vmul.f32 v22, v27;
	[tilespmem:v20+s28+$0x0] =	vst.idx.add.f32.msk $0xffff, v16  }
0x71: {  	v38 =	vmul.f32 v25, v30;
	[tilespmem:v23+s29+$0x0] =	vst.idx.add.f32.msk $0xffff, v36  }
0x72: {  	v39 =	vmul.f32 v28, v33;
	[tilespmem:v26+s25+$0x0] =	vst.idx.add.f32.msk $0xffff, v37  }
0x73: {  	v2 =	vmul.f32 v53, v34;
	[tilespmem:v29+s26+$0x0] =	vst.idx.add.f32.msk $0xffff, v38  }
0x74: {  	v8 =	vmul.f32 v31, v60;
	[tilespmem:v32+s28+$0x0] =	vst.idx.add.f32.msk $0xffff, v39  }
0x75: {  	[tilespmem:v51+s29+$0x0] =	vst.idx.add.f32.msk $0xffff, v2  }
0x76: {  	[tilespmem:v59+s26+$0x0] =	vst.idx.add.f32.msk $0xffff, v8  }
0x77: {  	v42 =	vld [tilespmem:$0x438]  }
0x78: {  	v45 =	vld [tilespmem:$0x448]  }
0x79: {  	v49 =	vld [tilespmem:$0x458];
	v0 =	vmul.f32 v0, v58  }
0x7a: {  	v52 =	vld [tilespmem:$0x468];
	v1 =	vmul.f32 v1, v62  }
0x7b: {  	v40 =	vmul.f32 v5, v35;
	[tilespmem:v54+s25+$0x0] =	vst.idx.add.f32.msk $0xffff, v0  }
0x7c: {  	[tilespmem:v61+s28+$0x0] =	vst.idx.add.f32.msk $0xffff, v1  }
0x7d: {  	[tilespmem:v63+s29+$0x0] =	vst.idx.add.f32.msk $0xffff, v40  }
0x7e: {  	v41 =	vld [tilespmem:$0x3B8]  }
0x7f: {  	v43 =	vld [tilespmem:$0x4B8]  }
0x80: {  	v3 =	vld [tilespmem:$0x538]  }
0x81: {  	v44 =	vld [tilespmem:$0x3C8]  }
0x82: {  	v46 =	vld [tilespmem:$0x4C8]  }
0x83: {  	v47 =	vld [tilespmem:$0x548]  }
0x84: {  	v48 =	vld [tilespmem:$0x3D8]  }
0x85: {  	v10 =	vld [tilespmem:$0x4D8]  }
0x86: {  	v50 =	vld [tilespmem:$0x558]  }
0x87: {  	v51 =	vld [tilespmem:$0x3E8]  }
0x88: {  	v53 =	vld [tilespmem:$0x4E8]  }
0x89: {  	v55 =	vld [tilespmem:$0x568]  }
0x8a: {  	v0 =	vadd.f32 v42, v41;
	v54 =	vadd.f32 v3, v43  }
0x8b: {  	v56 =	vadd.f32 v45, v44;
	v57 =	vadd.f32 v47, v46  }
0x8c: {  	v59 =	vadd.f32 v49, v48;
	v60 =	vadd.f32 v50, v10  }
0x8d: {  	v61 =	vadd.f32 v52, v51;
	v0 =	vadd.f32 v54, v0  }
0x8e: {  	v2 =	vadd.f32 v55, v53;
	v58 =	vadd.f32 v57, v56  }
0x8f: {  	v62 =	vadd.f32 v60, v59;
	[tilespmem:$0x3B8] =	vst v0  }
0x90: {  	v63 =	vadd.f32 v2, v61;
	[tilespmem:$0x3C8] =	vst v58  }
0x91: {  	[tilespmem:$0x3D8] =	vst v62  }
0x92: {  	s30 =	simm.s32 $0x0;
	s31 =	simm.s32 $0x3;
	[tilespmem:$0x3E8] =	vst v63  }
0x93: {  	[hbm4b:s1+s30] =	stream.linear.scatter [tilespmem:s25], [sflag:$0x3], $0x80, $0x38;
	[tilespmem:$0x5B8] =	vst v63  }
0x94: {  	_ =	swait.ge [sflag:s31], $0x80  }
0x95: {  	[sflag:s31] =	ssyncset.done $0x0  }
0x96: {  	[sflag:s31] =	ssyncadd.s32 $0xFFFFFF80  }
.LBB2_2:
0x97: {  	_ =	sfence.sel $0x180000  }
0x98: {  	[bflag:$0x0] =	sbarrier.arrive $0xFFFF  }
0x99: {  	_ =	strace $0x90000047  }
0x9a: {  	s0 =	sadd.s32 @!p0 $0x100000, s0;
	[bflag:$0x2] =	sbarrier.arrive $0xFFFF  }
0x9b: {  	[sflag:s0] =	ssyncadd.tile.s32 @!p0 $0x1;
	_ =	shalt  }
.Lfunc_end2:
_tile_overlayer_lowered:
.L_overlay_start_2:
0x9c: {  	(tag) =	ssettag $0x2  }
0x9d: {  	s0 =	rddreg [dreg:$0x0];
	s2 =	stileid.u32  }
0x9e: {  	s1 =	rddreg [dreg:$0x1];
	p0 =	sne.s32 s2, $0x0  }
0x9f: {  	s3 =	rddreg [dreg:$0x2];
	[bflag:$0x3] =	sbarrier.arrive $0xFFFF;
	s2 =	simm.s32 @!p0 $0x1C02  }
0xa0: {  	[timem:s3], [sflag:s2] =	dma.local @!p0 [hbm:s0], s1  }
0xa1: {  	s0 =	simm.s32 @!p0 $0x2  }
0xa2: {  	_ =	swait.ge @!p0 [sflag:s0], s1  }
0xa3: {  	s1 =	ssub.s32 @!p0 $0x0, s1;
	[sflag:s0] =	ssyncset.done @!p0 $0x0  }
0xa4: {  	[sflag:s0] =	ssyncadd.s32 @!p0 s1  }
0xa5: {  	[bflag:$0x3] =	sbarrier.arrive $0xFFFF  }
0xa6: {  	_ =	shalt  }

</sc_bundles>
